<compile_context>
chip_gen: v7x
topology: tpu7x:2x2x1
jax: 0.10.2.dev20260603
libtpu: 0.0.44.dev20260713+nightly
codegen_flags: <defaults>
</compile_context>

<pallas_src>
import jax
import jax.numpy as jnp
from jax import lax
from jax.experimental import pallas as pl
from jax.experimental.pallas import tpu as pltpu
from jax.experimental.pallas import tpu_sc as plsc

B, H, S, D, Q = 16, 8, 2048, 128, 1
BH = B * H
BS = 1024
CHUNK = 256
NC, NS = 2, 16
PAIRS_PER_TILE = BH // (NC * NS)
PAIRS_PER_SC = BH // NC
PATCH_TILES = PAIRS_PER_SC // 16



def _tc_body(pos_ref, k_ref, lk_ref, ok_ref):
    b = pl.program_id(0)
    s = pl.program_id(1)
    ok_ref[...] = k_ref[...]
    local = pos_ref[b] - s * BS

    @pl.when((local >= 0) & (local < BS))
    def _():
        ok_ref[0, :, pl.ds(local, 1), :] = lk_ref[0]


def _tc_update(cache, latest, pos):
    grid_spec = pltpu.PrefetchScalarGridSpec(
        num_scalar_prefetch=1,
        grid=(B, S // BS),
        in_specs=[
            pl.BlockSpec((1, H, BS, D), lambda b, s, p: (b, 0, s, 0)),
            pl.BlockSpec((1, H, Q, D), lambda b, s, p: (b, 0, 0, 0)),
        ],
        out_specs=pl.BlockSpec((1, H, BS, D), lambda b, s, p: (b, 0, s, 0)),
    )
    return pl.pallas_call(
        _tc_body,
        grid_spec=grid_spec,
        out_shape=jax.ShapeDtypeStruct((B, H, S, D), cache.dtype),
    )(pos, cache, latest)



def _sc_body(v_hbm, lv_hbm, pos_hbm, ov_hbm,
             buf0, buf1, buf2, rows_v, pos_v,
             isem0, isem1, isem2, osem0, osem1, osem2, psem):
    c = lax.axis_index("c")
    s = lax.axis_index("s")

    bufs = (buf0, buf1, buf2)
    isems = (isem0, isem1, isem2)
    osems = (osem0, osem1, osem2)
    nbuf = len(bufs)

    chunk_rows = []
    for i in range(PAIRS_PER_TILE):
        pair = c * PAIRS_PER_SC + s * PAIRS_PER_TILE + i
        for j in range(S // CHUNK):
            chunk_rows.append(pair * S + j * CHUNK)
    n = len(chunk_rows)
    prefetch = nbuf - 1

    def start_in(t):
        cp = pltpu.make_async_copy(
            v_hbm.at[pl.ds(chunk_rows[t], CHUNK)], bufs[t % nbuf],
            isems[t % nbuf])
        cp.start()
        return cp


    plsc.subcore_barrier()

    pltpu.sync_copy(pos_hbm, pos_v)
    iota = lax.iota(jnp.int32, 16)

    for tile in range(PATCH_TILES):
        @pl.when(s == tile)
        def _(tile=tile):
            pair_vec = c * PAIRS_PER_SC + tile * 16 + iota
            b_vec = lax.shift_right_logical(pair_vec, 3)
            pos_vals = plsc.load_gather(pos_v, [b_vec])
            dst_vec = pair_vec * S + pos_vals
            cp_g = pltpu.make_async_copy(lv_hbm.at[pair_vec], rows_v, psem)
            cp_g.start()
            cp_g.wait()
            cp_s = pltpu.make_async_copy(rows_v, ov_hbm.at[dst_vec], psem)
            cp_s.start()
            cp_s.wait()


def _sc_update(cache2, latest2, pos):
    mesh = plsc.VectorSubcoreMesh(core_axis_name="c", subcore_axis_name="s")
    run = pl.kernel(
        _sc_body,
        out_type=jax.ShapeDtypeStruct((BH * S, D), cache2.dtype),
        mesh=mesh,
        compiler_params=pltpu.CompilerParams(needs_layout_passes=False),
        scratch_types=[
            pltpu.VMEM((CHUNK, D), jnp.float32),
            pltpu.VMEM((CHUNK, D), jnp.float32),
            pltpu.VMEM((CHUNK, D), jnp.float32),
            pltpu.VMEM((16, D), jnp.float32),
            pltpu.VMEM((16,), jnp.int32),
            pltpu.SemaphoreType.DMA,
            pltpu.SemaphoreType.DMA,
            pltpu.SemaphoreType.DMA,
            pltpu.SemaphoreType.DMA,
            pltpu.SemaphoreType.DMA,
            pltpu.SemaphoreType.DMA,
            pltpu.SemaphoreType.DMA,
        ],
    )
    return run(cache2, latest2, pos)


def kernel(k_cache, v_cache, latest_k, latest_v, position_ids):
    pos = position_ids.reshape(B).astype(jnp.int32)
    v_new = _sc_update(
        v_cache.reshape(BH * S, D), latest_v.reshape(BH, D), pos)
    k_new = _tc_update(k_cache, latest_k, pos)
    return (k_new, v_new.reshape(B, H, S, D))

# --- scband reference (transcript-rebuilt; emitter-appended) ---
"""Pipeline reference for scband-kvcache-manager-48954037240384 (READ-ONLY COPY).

The authoritative reference and input builder live on the scoring server;
editing this copy changes nothing except your own understanding.
"""

import jax, jax.numpy as jnp
import numpy as np

B, H, S, D, Q = 16, 8, 2048, 128, 1

def setup_inputs(seed: int = 0):
    key = jax.random.key(seed)
    k1, k2, k3, k4, k5 = jax.random.split(key, 5)
    k_cache = jax.random.normal(k1, (B, H, S, D), dtype=jnp.float32)
    v_cache = jax.random.normal(k2, (B, H, S, D), dtype=jnp.float32)
    latest_k = jax.random.normal(k3, (B, H, Q, D), dtype=jnp.float32)
    latest_v = jax.random.normal(k4, (B, H, Q, D), dtype=jnp.float32)
    position_ids = jax.random.randint(k5, (B, Q), 0, S, dtype=jnp.int32)
    return {"k_cache": k_cache, "v_cache": v_cache, "latest_k": latest_k, "latest_v": latest_v, "position_ids": position_ids}

def reference(k_cache, v_cache, latest_k, latest_v, position_ids):
    # KVCacheManager.update_cache (right-padding, token-gen path):
    # scatter the latest K/V (one decode step per sequence) into the cache
    # at dim=2 (sequence axis) using per-batch position indices.
    b_idx = jnp.broadcast_to(jnp.arange(k_cache.shape[0])[:, None], position_ids.shape)  # (B, Q)
    # torch.scatter(input=cache, dim=2, index=pos.expand_as(latest), src=latest)
    k_src = jnp.transpose(latest_k, (0, 2, 1, 3))  # (B, Q, H, D)
    v_src = jnp.transpose(latest_v, (0, 2, 1, 3))
    k_new = k_cache.at[b_idx, :, position_ids, :].set(k_src)
    v_new = v_cache.at[b_idx, :, position_ids, :].set(v_src)
    return (k_new, v_new)

if __name__ == "__main__":
    import jax
    _d = setup_inputs()
    print(jax.jit(kernel)(*tuple(_d.values())))

</pallas_src>

<mosaic_0001>
#map = affine_map<(d0, d1) -> (0, 0)>
#map1 = affine_map<(d0, d1) -> (0)>
module attributes {stable_mosaic.version = 14 : i64} {
  func.func @_sc_body(%arg0: i32, %arg1: i32, %arg2: memref<262144x128xf32, #tpu.memory_space<hbm>>, %arg3: memref<128x128xf32, #tpu.memory_space<hbm>>, %arg4: memref<16xi32, #tpu.memory_space<hbm>>, %arg5: memref<262144x128xf32, #tpu.memory_space<hbm>>, %arg6: memref<256x128xf32, #tpu.memory_space<vmem>>, %arg7: memref<256x128xf32, #tpu.memory_space<vmem>>, %arg8: memref<256x128xf32, #tpu.memory_space<vmem>>, %arg9: memref<16x128xf32, #tpu.memory_space<vmem>>, %arg10: memref<16xi32, #tpu.memory_space<vmem>>, %arg11: memref<!tpu.dma_semaphore, #tpu.memory_space<semaphore_mem>>, %arg12: memref<!tpu.dma_semaphore, #tpu.memory_space<semaphore_mem>>, %arg13: memref<!tpu.dma_semaphore, #tpu.memory_space<semaphore_mem>>, %arg14: memref<!tpu.dma_semaphore, #tpu.memory_space<semaphore_mem>>, %arg15: memref<!tpu.dma_semaphore, #tpu.memory_space<semaphore_mem>>, %arg16: memref<!tpu.dma_semaphore, #tpu.memory_space<semaphore_mem>>, %arg17: memref<!tpu.dma_semaphore, #tpu.memory_space<semaphore_mem>>) attributes {dimension_semantics = [#tpu.dimension_semantics<core_parallel>, #tpu.dimension_semantics<subcore_parallel>], iteration_bounds = array<i64: 2, 16>, scalar_prefetch = 0 : i64, scratch_operands = 12 : i64, tpu.core_type = #tpu.core_type<sc_vector_subcore>, window_params = [{transform_indices = #map}, {transform_indices = #map}, {transform_indices = #map1}, {transform_indices = #map}]} {
    %mul3A = arith.constant 64 : i32
    %mul3A_0 = arith.muli %arg0, %mul3A : i32
    %mul3A_1 = arith.constant 4 : i32
    %mul3A_2 = arith.muli %arg1, %mul3A_1 : i32
    %add3A = arith.addi %mul3A_0, %mul3A_2 : i32
    %add3A_3 = arith.constant 0 : i32
    %add3A_4 = arith.addi %add3A, %add3A_3 : i32
    %mul3A_5 = arith.constant 2048 : i32
    %mul3A_6 = arith.muli %add3A_4, %mul3A_5 : i32
    %add3A_7 = arith.constant 0 : i32
    %add3A_8 = arith.addi %mul3A_6, %add3A_7 : i32
    %mul3A_9 = arith.constant 2048 : i32
    %mul3A_10 = arith.muli %add3A_4, %mul3A_9 : i32
    %add3A_11 = arith.constant 256 : i32
    %add3A_12 = arith.addi %mul3A_10, %add3A_11 : i32
    %mul3A_13 = arith.constant 2048 : i32
    %mul3A_14 = arith.muli %add3A_4, %mul3A_13 : i32
    %add3A_15 = arith.constant 512 : i32
    %add3A_16 = arith.addi %mul3A_14, %add3A_15 : i32
    %mul3A_17 = arith.constant 2048 : i32
    %mul3A_18 = arith.muli %add3A_4, %mul3A_17 : i32
    %add3A_19 = arith.constant 768 : i32
    %add3A_20 = arith.addi %mul3A_18, %add3A_19 : i32
    %mul3A_21 = arith.constant 2048 : i32
    %mul3A_22 = arith.muli %add3A_4, %mul3A_21 : i32
    %add3A_23 = arith.constant 1024 : i32
    %add3A_24 = arith.addi %mul3A_22, %add3A_23 : i32
    %mul3A_25 = arith.constant 2048 : i32
    %mul3A_26 = arith.muli %add3A_4, %mul3A_25 : i32
    %add3A_27 = arith.constant 1280 : i32
    %add3A_28 = arith.addi %mul3A_26, %add3A_27 : i32
    %mul3A_29 = arith.constant 2048 : i32
    %mul3A_30 = arith.muli %add3A_4, %mul3A_29 : i32
    %add3A_31 = arith.constant 1536 : i32
    %add3A_32 = arith.addi %mul3A_30, %add3A_31 : i32
    %mul3A_33 = arith.constant 2048 : i32
    %mul3A_34 = arith.muli %add3A_4, %mul3A_33 : i32
    %add3A_35 = arith.constant 1792 : i32
    %add3A_36 = arith.addi %mul3A_34, %add3A_35 : i32
    %mul3A_37 = arith.constant 64 : i32
    %mul3A_38 = arith.muli %arg0, %mul3A_37 : i32
    %mul3A_39 = arith.constant 4 : i32
    %mul3A_40 = arith.muli %arg1, %mul3A_39 : i32
    %add3A_41 = arith.addi %mul3A_38, %mul3A_40 : i32
    %add3A_42 = arith.constant 1 : i32
    %add3A_43 = arith.addi %add3A_41, %add3A_42 : i32
    %mul3A_44 = arith.constant 2048 : i32
    %mul3A_45 = arith.muli %add3A_43, %mul3A_44 : i32
    %add3A_46 = arith.constant 0 : i32
    %add3A_47 = arith.addi %mul3A_45, %add3A_46 : i32
    %mul3A_48 = arith.constant 2048 : i32
    %mul3A_49 = arith.muli %add3A_43, %mul3A_48 : i32
    %add3A_50 = arith.constant 256 : i32
    %add3A_51 = arith.addi %mul3A_49, %add3A_50 : i32
    %mul3A_52 = arith.constant 2048 : i32
    %mul3A_53 = arith.muli %add3A_43, %mul3A_52 : i32
    %add3A_54 = arith.constant 512 : i32
    %add3A_55 = arith.addi %mul3A_53, %add3A_54 : i32
    %mul3A_56 = arith.constant 2048 : i32
    %mul3A_57 = arith.muli %add3A_43, %mul3A_56 : i32
    %add3A_58 = arith.constant 768 : i32
    %add3A_59 = arith.addi %mul3A_57, %add3A_58 : i32
    %mul3A_60 = arith.constant 2048 : i32
    %mul3A_61 = arith.muli %add3A_43, %mul3A_60 : i32
    %add3A_62 = arith.constant 1024 : i32
    %add3A_63 = arith.addi %mul3A_61, %add3A_62 : i32
    %mul3A_64 = arith.constant 2048 : i32
    %mul3A_65 = arith.muli %add3A_43, %mul3A_64 : i32
    %add3A_66 = arith.constant 1280 : i32
    %add3A_67 = arith.addi %mul3A_65, %add3A_66 : i32
    %mul3A_68 = arith.constant 2048 : i32
    %mul3A_69 = arith.muli %add3A_43, %mul3A_68 : i32
    %add3A_70 = arith.constant 1536 : i32
    %add3A_71 = arith.addi %mul3A_69, %add3A_70 : i32
    %mul3A_72 = arith.constant 2048 : i32
    %mul3A_73 = arith.muli %add3A_43, %mul3A_72 : i32
    %add3A_74 = arith.constant 1792 : i32
    %add3A_75 = arith.addi %mul3A_73, %add3A_74 : i32
    %mul3A_76 = arith.constant 64 : i32
    %mul3A_77 = arith.muli %arg0, %mul3A_76 : i32
    %mul3A_78 = arith.constant 4 : i32
    %mul3A_79 = arith.muli %arg1, %mul3A_78 : i32
    %add3A_80 = arith.addi %mul3A_77, %mul3A_79 : i32
    %add3A_81 = arith.constant 2 : i32
    %add3A_82 = arith.addi %add3A_80, %add3A_81 : i32
    %mul3A_83 = arith.constant 2048 : i32
    %mul3A_84 = arith.muli %add3A_82, %mul3A_83 : i32
    %add3A_85 = arith.constant 0 : i32
    %add3A_86 = arith.addi %mul3A_84, %add3A_85 : i32
    %mul3A_87 = arith.constant 2048 : i32
    %mul3A_88 = arith.muli %add3A_82, %mul3A_87 : i32
    %add3A_89 = arith.constant 256 : i32
    %add3A_90 = arith.addi %mul3A_88, %add3A_89 : i32
    %mul3A_91 = arith.constant 2048 : i32
    %mul3A_92 = arith.muli %add3A_82, %mul3A_91 : i32
    %add3A_93 = arith.constant 512 : i32
    %add3A_94 = arith.addi %mul3A_92, %add3A_93 : i32
    %mul3A_95 = arith.constant 2048 : i32
    %mul3A_96 = arith.muli %add3A_82, %mul3A_95 : i32
    %add3A_97 = arith.constant 768 : i32
    %add3A_98 = arith.addi %mul3A_96, %add3A_97 : i32
    %mul3A_99 = arith.constant 2048 : i32
    %mul3A_100 = arith.muli %add3A_82, %mul3A_99 : i32
    %add3A_101 = arith.constant 1024 : i32
    %add3A_102 = arith.addi %mul3A_100, %add3A_101 : i32
    %mul3A_103 = arith.constant 2048 : i32
    %mul3A_104 = arith.muli %add3A_82, %mul3A_103 : i32
    %add3A_105 = arith.constant 1280 : i32
    %add3A_106 = arith.addi %mul3A_104, %add3A_105 : i32
    %mul3A_107 = arith.constant 2048 : i32
    %mul3A_108 = arith.muli %add3A_82, %mul3A_107 : i32
    %add3A_109 = arith.constant 1536 : i32
    %add3A_110 = arith.addi %mul3A_108, %add3A_109 : i32
    %mul3A_111 = arith.constant 2048 : i32
    %mul3A_112 = arith.muli %add3A_82, %mul3A_111 : i32
    %add3A_113 = arith.constant 1792 : i32
    %add3A_114 = arith.addi %mul3A_112, %add3A_113 : i32
    %mul3A_115 = arith.constant 64 : i32
    %mul3A_116 = arith.muli %arg0, %mul3A_115 : i32
    %mul3A_117 = arith.constant 4 : i32
    %mul3A_118 = arith.muli %arg1, %mul3A_117 : i32
    %add3A_119 = arith.addi %mul3A_116, %mul3A_118 : i32
    %add3A_120 = arith.constant 3 : i32
    %add3A_121 = arith.addi %add3A_119, %add3A_120 : i32
    %mul3A_122 = arith.constant 2048 : i32
    %mul3A_123 = arith.muli %add3A_121, %mul3A_122 : i32
    %add3A_124 = arith.constant 0 : i32
    %add3A_125 = arith.addi %mul3A_123, %add3A_124 : i32
    %mul3A_126 = arith.constant 2048 : i32
    %mul3A_127 = arith.muli %add3A_121, %mul3A_126 : i32
    %add3A_128 = arith.constant 256 : i32
    %add3A_129 = arith.addi %mul3A_127, %add3A_128 : i32
    %mul3A_130 = arith.constant 2048 : i32
    %mul3A_131 = arith.muli %add3A_121, %mul3A_130 : i32
    %add3A_132 = arith.constant 512 : i32
    %add3A_133 = arith.addi %mul3A_131, %add3A_132 : i32
    %mul3A_134 = arith.constant 2048 : i32
    %mul3A_135 = arith.muli %add3A_121, %mul3A_134 : i32
    %add3A_136 = arith.constant 768 : i32
    %add3A_137 = arith.addi %mul3A_135, %add3A_136 : i32
    %mul3A_138 = arith.constant 2048 : i32
    %mul3A_139 = arith.muli %add3A_121, %mul3A_138 : i32
    %add3A_140 = arith.constant 1024 : i32
    %add3A_141 = arith.addi %mul3A_139, %add3A_140 : i32
    %mul3A_142 = arith.constant 2048 : i32
    %mul3A_143 = arith.muli %add3A_121, %mul3A_142 : i32
    %add3A_144 = arith.constant 1280 : i32
    %add3A_145 = arith.addi %mul3A_143, %add3A_144 : i32
    %mul3A_146 = arith.constant 2048 : i32
    %mul3A_147 = arith.muli %add3A_121, %mul3A_146 : i32
    %add3A_148 = arith.constant 1536 : i32
    %add3A_149 = arith.addi %mul3A_147, %add3A_148 : i32
    %mul3A_150 = arith.constant 2048 : i32
    %mul3A_151 = arith.muli %add3A_121, %mul3A_150 : i32
    %add3A_152 = arith.constant 1792 : i32
    %add3A_153 = arith.addi %mul3A_151, %add3A_152 : i32
    %barrier3A = arith.constant 0 : index
    tpu.barrier barrier_id(%barrier3A)
    "tpu.region"() ({
      %run_scoped3A = tpu.sem_alloc : memref<!tpu.dma_semaphore, #tpu.memory_space<semaphore_mem>>
      tpu.enqueue_dma source(%arg4 : memref<16xi32, #tpu.memory_space<hbm>>) target(%arg10 : memref<16xi32, #tpu.memory_space<vmem>>) target_semaphore(%run_scoped3A : memref<!tpu.dma_semaphore, #tpu.memory_space<semaphore_mem>>)
      tpu.wait_dma2 semaphore(%run_scoped3A : memref<!tpu.dma_semaphore, #tpu.memory_space<semaphore_mem>>) src(%arg4 : memref<16xi32, #tpu.memory_space<hbm>>) dst(%arg10 : memref<16xi32, #tpu.memory_space<vmem>>)
      tpu.yield
    }) : () -> ()
    %iota3A = tpu.iota {dimensions = array<i32: 0>} : vector<16xi32>
    %eq3A = arith.constant 0 : i32
    %eq3A_154 = arith.cmpi eq, %arg1, %eq3A : i32
    %convert_element_type3A = arith.extui %eq3A_154 : i1 to i32
    %cond3A = arith.constant 0 : i32
    %cond3A_155 = arith.cmpi ne, %convert_element_type3A, %cond3A : i32
    scf.if %cond3A_155 {
      %mul3A_171 = arith.constant 64 : i32
      %mul3A_172 = arith.muli %arg0, %mul3A_171 : i32
      %add3A_173 = arith.constant 0 : i32
      %add3A_174 = arith.addi %mul3A_172, %add3A_173 : i32
      %add3A_175 = vector.broadcast %add3A_174 : i32 to vector<16xi32>
      %add3A_176 = arith.addi %add3A_175, %iota3A : vector<16xi32>
      %shift_right_logical3A = arith.constant 3 : i32
      %shift_right_logical3A_177 = vector.broadcast %shift_right_logical3A : i32 to vector<16xi32>
      %shift_right_logical3A_178 = arith.shrui %add3A_176, %shift_right_logical3A_177 : vector<16xi32>
      %gather3A = tpu.vector_load_idx %arg10[%shift_right_logical3A_178] : memref<16xi32, #tpu.memory_space<vmem>>[vector<16xi32>], vector<16xi32>,
      %mul3A_179 = arith.constant 2048 : i32
      %mul3A_180 = vector.broadcast %mul3A_179 : i32 to vector<16xi32>
      %mul3A_181 = arith.muli %add3A_176, %mul3A_180 : vector<16xi32>
      %add3A_182 = arith.addi %mul3A_181, %gather3A : vector<16xi32>
      %dma_start3A = arith.constant 0 : i32
      %dma_start3A_183 = arith.constant 0 : i32
      %dma_start3A_184 = tpu.memref_slice %arg3[%dma_start3A, %dma_start3A_183] : memref<128x128xf32, #tpu.memory_space<hbm>> -> memref<128x128xf32, #tpu.memory_space<hbm>>
      tpu.enqueue_indirect_dma source(%dma_start3A_184 : memref<128x128xf32, #tpu.memory_space<hbm>>) target(%arg9 : memref<16x128xf32, #tpu.memory_space<vmem>>) offsets(%add3A_176 : vector<16xi32>) semaphore(%arg17 : memref<!tpu.dma_semaphore, #tpu.memory_space<semaphore_mem>>)
      %dma_wait3A = arith.constant 0 : i32
      %dma_wait3A_185 = arith.constant 0 : i32
      %dma_wait3A_186 = tpu.memref_slice %arg3[%dma_wait3A, %dma_wait3A_185] : memref<128x128xf32, #tpu.memory_space<hbm>> -> memref<128x128xf32, #tpu.memory_space<hbm>>
      tpu.wait_indirect_dma semaphore(%arg17 : memref<!tpu.dma_semaphore, #tpu.memory_space<semaphore_mem>>) src(%dma_wait3A_186 : memref<128x128xf32, #tpu.memory_space<hbm>>) dst(%arg9 : memref<16x128xf32, #tpu.memory_space<vmem>>)
      %dma_start3A_187 = arith.constant 0 : i32
      %dma_start3A_188 = arith.constant 0 : i32
      %dma_start3A_189 = tpu.memref_slice %arg5[%dma_start3A_187, %dma_start3A_188] : memref<262144x128xf32, #tpu.memory_space<hbm>> -> memref<262144x128xf32, #tpu.memory_space<hbm>>
      tpu.enqueue_indirect_dma source(%arg9 : memref<16x128xf32, #tpu.memory_space<vmem>>) target(%dma_start3A_189 : memref<262144x128xf32, #tpu.memory_space<hbm>>) offsets(%add3A_182 : vector<16xi32>) semaphore(%arg17 : memref<!tpu.dma_semaphore, #tpu.memory_space<semaphore_mem>>)
      %dma_wait3A_190 = arith.constant 0 : i32
      %dma_wait3A_191 = arith.constant 0 : i32
      %dma_wait3A_192 = tpu.memref_slice %arg5[%dma_wait3A_190, %dma_wait3A_191] : memref<262144x128xf32, #tpu.memory_space<hbm>> -> memref<262144x128xf32, #tpu.memory_space<hbm>>
      tpu.wait_indirect_dma semaphore(%arg17 : memref<!tpu.dma_semaphore, #tpu.memory_space<semaphore_mem>>) src(%arg9 : memref<16x128xf32, #tpu.memory_space<vmem>>) dst(%dma_wait3A_192 : memref<262144x128xf32, #tpu.memory_space<hbm>>)
    } else {
    }
    %eq3A_156 = arith.constant 1 : i32
    %eq3A_157 = arith.cmpi eq, %arg1, %eq3A_156 : i32
    %convert_element_type3A_158 = arith.extui %eq3A_157 : i1 to i32
    %cond3A_159 = arith.constant 0 : i32
    %cond3A_160 = arith.cmpi ne, %convert_element_type3A_158, %cond3A_159 : i32
    scf.if %cond3A_160 {
      %mul3A_171 = arith.constant 64 : i32
      %mul3A_172 = arith.muli %arg0, %mul3A_171 : i32
      %add3A_173 = arith.constant 16 : i32
      %add3A_174 = arith.addi %mul3A_172, %add3A_173 : i32
      %add3A_175 = vector.broadcast %add3A_174 : i32 to vector<16xi32>
      %add3A_176 = arith.addi %add3A_175, %iota3A : vector<16xi32>
      %shift_right_logical3A = arith.constant 3 : i32
      %shift_right_logical3A_177 = vector.broadcast %shift_right_logical3A : i32 to vector<16xi32>
      %shift_right_logical3A_178 = arith.shrui %add3A_176, %shift_right_logical3A_177 : vector<16xi32>
      %gather3A = tpu.vector_load_idx %arg10[%shift_right_logical3A_178] : memref<16xi32, #tpu.memory_space<vmem>>[vector<16xi32>], vector<16xi32>,
      %mul3A_179 = arith.constant 2048 : i32
      %mul3A_180 = vector.broadcast %mul3A_179 : i32 to vector<16xi32>
      %mul3A_181 = arith.muli %add3A_176, %mul3A_180 : vector<16xi32>
      %add3A_182 = arith.addi %mul3A_181, %gather3A : vector<16xi32>
      %dma_start3A = arith.constant 0 : i32
      %dma_start3A_183 = arith.constant 0 : i32
      %dma_start3A_184 = tpu.memref_slice %arg3[%dma_start3A, %dma_start3A_183] : memref<128x128xf32, #tpu.memory_space<hbm>> -> memref<128x128xf32, #tpu.memory_space<hbm>>
      tpu.enqueue_indirect_dma source(%dma_start3A_184 : memref<128x128xf32, #tpu.memory_space<hbm>>) target(%arg9 : memref<16x128xf32, #tpu.memory_space<vmem>>) offsets(%add3A_176 : vector<16xi32>) semaphore(%arg17 : memref<!tpu.dma_semaphore, #tpu.memory_space<semaphore_mem>>)
      %dma_wait3A = arith.constant 0 : i32
      %dma_wait3A_185 = arith.constant 0 : i32
      %dma_wait3A_186 = tpu.memref_slice %arg3[%dma_wait3A, %dma_wait3A_185] : memref<128x128xf32, #tpu.memory_space<hbm>> -> memref<128x128xf32, #tpu.memory_space<hbm>>
      tpu.wait_indirect_dma semaphore(%arg17 : memref<!tpu.dma_semaphore, #tpu.memory_space<semaphore_mem>>) src(%dma_wait3A_186 : memref<128x128xf32, #tpu.memory_space<hbm>>) dst(%arg9 : memref<16x128xf32, #tpu.memory_space<vmem>>)
      %dma_start3A_187 = arith.constant 0 : i32
      %dma_start3A_188 = arith.constant 0 : i32
      %dma_start3A_189 = tpu.memref_slice %arg5[%dma_start3A_187, %dma_start3A_188] : memref<262144x128xf32, #tpu.memory_space<hbm>> -> memref<262144x128xf32, #tpu.memory_space<hbm>>
      tpu.enqueue_indirect_dma source(%arg9 : memref<16x128xf32, #tpu.memory_space<vmem>>) target(%dma_start3A_189 : memref<262144x128xf32, #tpu.memory_space<hbm>>) offsets(%add3A_182 : vector<16xi32>) semaphore(%arg17 : memref<!tpu.dma_semaphore, #tpu.memory_space<semaphore_mem>>)
      %dma_wait3A_190 = arith.constant 0 : i32
      %dma_wait3A_191 = arith.constant 0 : i32
      %dma_wait3A_192 = tpu.memref_slice %arg5[%dma_wait3A_190, %dma_wait3A_191] : memref<262144x128xf32, #tpu.memory_space<hbm>> -> memref<262144x128xf32, #tpu.memory_space<hbm>>
      tpu.wait_indirect_dma semaphore(%arg17 : memref<!tpu.dma_semaphore, #tpu.memory_space<semaphore_mem>>) src(%arg9 : memref<16x128xf32, #tpu.memory_space<vmem>>) dst(%dma_wait3A_192 : memref<262144x128xf32, #tpu.memory_space<hbm>>)
    } else {
    }
    %eq3A_161 = arith.constant 2 : i32
    %eq3A_162 = arith.cmpi eq, %arg1, %eq3A_161 : i32
    %convert_element_type3A_163 = arith.extui %eq3A_162 : i1 to i32
    %cond3A_164 = arith.constant 0 : i32
    %cond3A_165 = arith.cmpi ne, %convert_element_type3A_163, %cond3A_164 : i32
    scf.if %cond3A_165 {
      %mul3A_171 = arith.constant 64 : i32
      %mul3A_172 = arith.muli %arg0, %mul3A_171 : i32
      %add3A_173 = arith.constant 32 : i32
      %add3A_174 = arith.addi %mul3A_172, %add3A_173 : i32
      %add3A_175 = vector.broadcast %add3A_174 : i32 to vector<16xi32>
      %add3A_176 = arith.addi %add3A_175, %iota3A : vector<16xi32>
      %shift_right_logical3A = arith.constant 3 : i32
      %shift_right_logical3A_177 = vector.broadcast %shift_right_logical3A : i32 to vector<16xi32>
      %shift_right_logical3A_178 = arith.shrui %add3A_176, %shift_right_logical3A_177 : vector<16xi32>
      %gather3A = tpu.vector_load_idx %arg10[%shift_right_logical3A_178] : memref<16xi32, #tpu.memory_space<vmem>>[vector<16xi32>], vector<16xi32>,
      %mul3A_179 = arith.constant 2048 : i32
      %mul3A_180 = vector.broadcast %mul3A_179 : i32 to vector<16xi32>
      %mul3A_181 = arith.muli %add3A_176, %mul3A_180 : vector<16xi32>
      %add3A_182 = arith.addi %mul3A_181, %gather3A : vector<16xi32>
      %dma_start3A = arith.constant 0 : i32
      %dma_start3A_183 = arith.constant 0 : i32
      %dma_start3A_184 = tpu.memref_slice %arg3[%dma_start3A, %dma_start3A_183] : memref<128x128xf32, #tpu.memory_space<hbm>> -> memref<128x128xf32, #tpu.memory_space<hbm>>
      tpu.enqueue_indirect_dma source(%dma_start3A_184 : memref<128x128xf32, #tpu.memory_space<hbm>>) target(%arg9 : memref<16x128xf32, #tpu.memory_space<vmem>>) offsets(%add3A_176 : vector<16xi32>) semaphore(%arg17 : memref<!tpu.dma_semaphore, #tpu.memory_space<semaphore_mem>>)
      %dma_wait3A = arith.constant 0 : i32
      %dma_wait3A_185 = arith.constant 0 : i32
      %dma_wait3A_186 = tpu.memref_slice %arg3[%dma_wait3A, %dma_wait3A_185] : memref<128x128xf32, #tpu.memory_space<hbm>> -> memref<128x128xf32, #tpu.memory_space<hbm>>
      tpu.wait_indirect_dma semaphore(%arg17 : memref<!tpu.dma_semaphore, #tpu.memory_space<semaphore_mem>>) src(%dma_wait3A_186 : memref<128x128xf32, #tpu.memory_space<hbm>>) dst(%arg9 : memref<16x128xf32, #tpu.memory_space<vmem>>)
      %dma_start3A_187 = arith.constant 0 : i32
      %dma_start3A_188 = arith.constant 0 : i32
      %dma_start3A_189 = tpu.memref_slice %arg5[%dma_start3A_187, %dma_start3A_188] : memref<262144x128xf32, #tpu.memory_space<hbm>> -> memref<262144x128xf32, #tpu.memory_space<hbm>>
      tpu.enqueue_indirect_dma source(%arg9 : memref<16x128xf32, #tpu.memory_space<vmem>>) target(%dma_start3A_189 : memref<262144x128xf32, #tpu.memory_space<hbm>>) offsets(%add3A_182 : vector<16xi32>) semaphore(%arg17 : memref<!tpu.dma_semaphore, #tpu.memory_space<semaphore_mem>>)
      %dma_wait3A_190 = arith.constant 0 : i32
      %dma_wait3A_191 = arith.constant 0 : i32
      %dma_wait3A_192 = tpu.memref_slice %arg5[%dma_wait3A_190, %dma_wait3A_191] : memref<262144x128xf32, #tpu.memory_space<hbm>> -> memref<262144x128xf32, #tpu.memory_space<hbm>>
      tpu.wait_indirect_dma semaphore(%arg17 : memref<!tpu.dma_semaphore, #tpu.memory_space<semaphore_mem>>) src(%arg9 : memref<16x128xf32, #tpu.memory_space<vmem>>) dst(%dma_wait3A_192 : memref<262144x128xf32, #tpu.memory_space<hbm>>)
    } else {
    }
    %eq3A_166 = arith.constant 3 : i32
    %eq3A_167 = arith.cmpi eq, %arg1, %eq3A_166 : i32
    %convert_element_type3A_168 = arith.extui %eq3A_167 : i1 to i32
    %cond3A_169 = arith.constant 0 : i32
    %cond3A_170 = arith.cmpi ne, %convert_element_type3A_168, %cond3A_169 : i32
    scf.if %cond3A_170 {
      %mul3A_171 = arith.constant 64 : i32
      %mul3A_172 = arith.muli %arg0, %mul3A_171 : i32
      %add3A_173 = arith.constant 48 : i32
      %add3A_174 = arith.addi %mul3A_172, %add3A_173 : i32
      %add3A_175 = vector.broadcast %add3A_174 : i32 to vector<16xi32>
      %add3A_176 = arith.addi %add3A_175, %iota3A : vector<16xi32>
      %shift_right_logical3A = arith.constant 3 : i32
      %shift_right_logical3A_177 = vector.broadcast %shift_right_logical3A : i32 to vector<16xi32>
      %shift_right_logical3A_178 = arith.shrui %add3A_176, %shift_right_logical3A_177 : vector<16xi32>
      %gather3A = tpu.vector_load_idx %arg10[%shift_right_logical3A_178] : memref<16xi32, #tpu.memory_space<vmem>>[vector<16xi32>], vector<16xi32>,
      %mul3A_179 = arith.constant 2048 : i32
      %mul3A_180 = vector.broadcast %mul3A_179 : i32 to vector<16xi32>
      %mul3A_181 = arith.muli %add3A_176, %mul3A_180 : vector<16xi32>
      %add3A_182 = arith.addi %mul3A_181, %gather3A : vector<16xi32>
      %dma_start3A = arith.constant 0 : i32
      %dma_start3A_183 = arith.constant 0 : i32
      %dma_start3A_184 = tpu.memref_slice %arg3[%dma_start3A, %dma_start3A_183] : memref<128x128xf32, #tpu.memory_space<hbm>> -> memref<128x128xf32, #tpu.memory_space<hbm>>
      tpu.enqueue_indirect_dma source(%dma_start3A_184 : memref<128x128xf32, #tpu.memory_space<hbm>>) target(%arg9 : memref<16x128xf32, #tpu.memory_space<vmem>>) offsets(%add3A_176 : vector<16xi32>) semaphore(%arg17 : memref<!tpu.dma_semaphore, #tpu.memory_space<semaphore_mem>>)
      %dma_wait3A = arith.constant 0 : i32
      %dma_wait3A_185 = arith.constant 0 : i32
      %dma_wait3A_186 = tpu.memref_slice %arg3[%dma_wait3A, %dma_wait3A_185] : memref<128x128xf32, #tpu.memory_space<hbm>> -> memref<128x128xf32, #tpu.memory_space<hbm>>
      tpu.wait_indirect_dma semaphore(%arg17 : memref<!tpu.dma_semaphore, #tpu.memory_space<semaphore_mem>>) src(%dma_wait3A_186 : memref<128x128xf32, #tpu.memory_space<hbm>>) dst(%arg9 : memref<16x128xf32, #tpu.memory_space<vmem>>)
      %dma_start3A_187 = arith.constant 0 : i32
      %dma_start3A_188 = arith.constant 0 : i32
      %dma_start3A_189 = tpu.memref_slice %arg5[%dma_start3A_187, %dma_start3A_188] : memref<262144x128xf32, #tpu.memory_space<hbm>> -> memref<262144x128xf32, #tpu.memory_space<hbm>>
      tpu.enqueue_indirect_dma source(%arg9 : memref<16x128xf32, #tpu.memory_space<vmem>>) target(%dma_start3A_189 : memref<262144x128xf32, #tpu.memory_space<hbm>>) offsets(%add3A_182 : vector<16xi32>) semaphore(%arg17 : memref<!tpu.dma_semaphore, #tpu.memory_space<semaphore_mem>>)
      %dma_wait3A_190 = arith.constant 0 : i32
      %dma_wait3A_191 = arith.constant 0 : i32
      %dma_wait3A_192 = tpu.memref_slice %arg5[%dma_wait3A_190, %dma_wait3A_191] : memref<262144x128xf32, #tpu.memory_space<hbm>> -> memref<262144x128xf32, #tpu.memory_space<hbm>>
      tpu.wait_indirect_dma semaphore(%arg17 : memref<!tpu.dma_semaphore, #tpu.memory_space<semaphore_mem>>) src(%arg9 : memref<16x128xf32, #tpu.memory_space<vmem>>) dst(%dma_wait3A_192 : memref<262144x128xf32, #tpu.memory_space<hbm>>)
    } else {
    }
    return
  }
}

module attributes {stable_mosaic.version = 14 : i64} {
  func.func @_tc_body(%arg0: i32, %arg1: i32, %arg2: memref<16xi32, #tpu.memory_space<smem>>, %arg3: memref<1x8x1024x128xf32, #tpu.memory_space<vmem>>, %arg4: memref<1x8x1x128xf32, #tpu.memory_space<vmem>>, %arg5: memref<1x8x1024x128xf32, #tpu.memory_space<vmem>>) attributes {dimension_semantics = [#tpu.dimension_semantics<arbitrary>, #tpu.dimension_semantics<arbitrary>], iteration_bounds = array<i64: 16, 2>, scalar_prefetch = 1 : i64, scratch_operands = 0 : i64, tpu.core_type = #tpu.core_type<tc>, window_params = [{transform_indices = @transform_0, window_bounds = array<i64: 1, 8, 1024, 128>}, {transform_indices = @transform_1, window_bounds = array<i64: 1, 8, 1, 128>}, {transform_indices = @transform_2, window_bounds = array<i64: 1, 8, 1024, 128>}]} {
    %get3A = arith.constant 0 : index
    %get3A_0 = arith.constant 0 : index
    %get3A_1 = arith.constant 0 : index
    %get3A_2 = arith.constant 0 : index
    %get3A_3 = vector.load %arg3[%get3A, %get3A_0, %get3A_1, %get3A_2] : memref<1x8x1024x128xf32, #tpu.memory_space<vmem>>, vector<1x8x1024x128xf32>
    %swap3A = arith.constant 0 : index
    %swap3A_4 = arith.constant 0 : index
    %swap3A_5 = arith.constant 0 : index
    %swap3A_6 = arith.constant 0 : index
    %swap3A_7 = vector.load %arg5[%swap3A, %swap3A_4, %swap3A_5, %swap3A_6] : memref<1x8x1024x128xf32, #tpu.memory_space<vmem>>, vector<1x8x1024x128xf32>
    tpu.vector_store %arg5[%swap3A, %swap3A_4, %swap3A_5, %swap3A_6], %get3A_3 {strides = array<i32>} : memref<1x8x1024x128xf32, #tpu.memory_space<vmem>>, vector<1x8x1024x128xf32>,
    %get3A_8 = arith.index_cast %arg0 : i32 to index
    %get3A_9 = memref.load %arg2[%get3A_8] : memref<16xi32, #tpu.memory_space<smem>>
    %mul3A = arith.constant 1024 : i32
    %mul3A_10 = arith.muli %arg1, %mul3A : i32
    %sub3A = arith.subi %get3A_9, %mul3A_10 : i32
    %ge3A = arith.constant 0 : i32
    %ge3A_11 = arith.cmpi sge, %sub3A, %ge3A : i32
    %lt3A = arith.constant 1024 : i32
    %lt3A_12 = arith.cmpi slt, %sub3A, %lt3A : i32
    %and3A = arith.andi %ge3A_11, %lt3A_12 : i1
    %convert_element_type3A = arith.extui %and3A : i1 to i32
    %cond3A = arith.constant 0 : i32
    %cond3A_13 = arith.cmpi ne, %convert_element_type3A, %cond3A : i32
    scf.if %cond3A_13 {
      %get3A_14 = arith.constant 0 : index
      %get3A_15 = arith.constant 0 : index
      %get3A_16 = arith.constant 0 : index
      %get3A_17 = arith.constant 0 : index
      %get3A_18 = vector.load %arg4[%get3A_14, %get3A_15, %get3A_16, %get3A_17] : memref<1x8x1x128xf32, #tpu.memory_space<vmem>>, vector<1x8x1x128xf32>
      %get3A_19 = vector.shape_cast %get3A_18 : vector<1x8x1x128xf32> to vector<8x1x128xf32>
      %swap3A_20 = arith.constant 0 : index
      %swap3A_21 = arith.constant 0 : index
      %swap3A_22 = arith.index_cast %sub3A : i32 to index
      %swap3A_23 = arith.constant 0 : index
      %swap3A_24 = vector.load %arg5[%swap3A_20, %swap3A_21, %swap3A_22, %swap3A_23] : memref<1x8x1024x128xf32, #tpu.memory_space<vmem>>, vector<1x8x1x128xf32>
      %swap3A_25 = vector.shape_cast %swap3A_24 : vector<1x8x1x128xf32> to vector<8x1x128xf32>
      %swap3A_26 = vector.shape_cast %get3A_19 : vector<8x1x128xf32> to vector<1x8x1x128xf32>
      tpu.vector_store %arg5[%swap3A_20, %swap3A_21, %swap3A_22, %swap3A_23], %swap3A_26 {strides = array<i32>} : memref<1x8x1024x128xf32, #tpu.memory_space<vmem>>, vector<1x8x1x128xf32>,
    } else {
    }
    return
  }
  func.func @transform_0(%arg0: i32, %arg1: i32, %arg2: memref<16xi32, #tpu.memory_space<smem>>) -> (i32, i32, i32, i32) {
    %c0_i32 = arith.constant 0 : i32
    %c0_i32_0 = arith.constant 0 : i32
    %c0_i32_1 = arith.constant 0 : i32
    return %arg0, %c0_i32, %arg1, %c0_i32_0 : i32, i32, i32, i32
  }
  func.func @transform_1(%arg0: i32, %arg1: i32, %arg2: memref<16xi32, #tpu.memory_space<smem>>) -> (i32, i32, i32, i32) {
    %c0_i32 = arith.constant 0 : i32
    %c0_i32_0 = arith.constant 0 : i32
    %c0_i32_1 = arith.constant 0 : i32
    %c0_i32_2 = arith.constant 0 : i32
    return %arg0, %c0_i32, %c0_i32_0, %c0_i32_1 : i32, i32, i32, i32
  }
  func.func @transform_2(%arg0: i32, %arg1: i32, %arg2: memref<16xi32, #tpu.memory_space<smem>>) -> (i32, i32, i32, i32) {
    %c0_i32 = arith.constant 0 : i32
    %c0_i32_0 = arith.constant 0 : i32
    %c0_i32_1 = arith.constant 0 : i32
    return %arg0, %c0_i32, %arg1, %c0_i32_0 : i32, i32, i32, i32
  }
}

</mosaic_0001>

<sc_bundles>
// kernel: kernel.4.cloned.1.call-start
scs
__scs_entry_jumppad:
0x0: {  	(pc) =	sbr.rel $0x88, $3  }
0x1: {  	(tag) =	ssettag $0x0;
	lr =	simm.s32 $0x1  }
0x2: {  	[smem:$0x3F9C] =	sst lr;
	_ =	strace $0xD0000000  }
0x3: {  	_ = 	snop  }
0x4: {  	_ = 	snop  }
0x5: {  	_ = 	snop  }
0x6: {  	_ = 	snop  }
0x7: {  	_ = 	snop  }
__scs_overlays_trampoline_lowered:
0x8: {  	[smem:$0x3FAB] =	sst s0  }
0x9: {  	[smem:$0x3FAC] =	sst s1  }
0xa: {  	[smem:$0x3FAD] =	sst s2  }
0xb: {  	[smem:$0x3FAE] =	sst s3  }
0xc: {  	[smem:$0x3FAF] =	sst s4  }
0xd: {  	[smem:$0x3FB0] =	sst s5  }
0xe: {  	[smem:$0x3FB1] =	sst s6  }
0xf: {  	[smem:$0x3FB2] =	sst s7  }
0x10: {  	[smem:$0x3FB3] =	sst s8  }
0x11: {  	[smem:$0x3FB4] =	sst s9;
	s0 =	simm.s32 @!p0 $0x0  }
0x12: {  	s1 =	sld [smem:$0x3F9A];
	s0 =	simm.s32 @p0 $0x1  }
0x13: {  	[smem:$0x3FB5] =	sst s0;
	s0 =	simm.s32 @!p1 $0x0  }
0x14: {  	s2 =	sld [smem:$0x3F99];
	s0 =	simm.s32 @p1 $0x1  }
0x15: {  	[smem:$0x3FB6] =	sst s0;
	s0 =	simm.s32 @!p2 $0x0  }
0x16: {  	s3 =	sld [smem:$0x3FDB];
	s0 =	simm.s32 @p2 $0x1  }
0x17: {  	s4 =	simm.s32 $0x1BF5;
	[smem:$0x3FB8] =	sst s0  }
0x18: {  	s0 =	sld [smem:$0x3F9B];
	_ =	swait.ge [sflag:s4], $0x0  }
0x19: {  	s7 =	sld [smem:$0x3F9C]  }
0x1a: {  	s8 =	sadd.s32 $0xFFFFE003, lr  }
0x1b: {  	s9 =	sadd.s32 $0xFFFFFEF7, lr;
	s5 =	simm.s32 $0xFFFFFFFF;
	p2 =	slt.u32 s8, $0xFFFFF086  }
0x1c: {  	p1 =	slt.u32 s9, $0xF7A;
	s5 =	simm.s32 @!p2 $0x0  }
0x1d: {  	s5 =	simm.s32 @p1 $0x1;
	p0 =	seq.s32 s7, s2  }
0x1e: {  	s7 =	smul.u32 @!p0 $0xF7A, s2;
	p2 =	seq.s32 @!p0 s5, $0x0  }
0x1f: {  	s9 =	smul.u32 $0xF7A, s1;
	s8 =	simm.s32 @!p0 $0x1BF5;
	p2 =	por !p2, p0  }
0x20: {  	[sflag:s8] =	ssyncset.s32 @!p0 $0xFFFFF086;
	s6 =	sadd.s32 @!p0 s3, s7;
	s7 =	simm.s32 @!p0 $0x108  }
0x21: {  	s3 =	sadd.s32 s3, s9;
	s6 =	sadd.s32 @!p0 $0x88, s6;
	s7 =	simm.s32 @p2 $0x1082  }
0x22: {  	[simem:s7], [sflag:s8] =	dma.local @!p0 [hbm:s6], $0xF7A  }
0x23: {  	s9 =	sor.u32 $0xD0000000, s2;
	s6 =	simm.s32 $0x108;
	_ =	swait.ge @!p0 [sflag:s8], $0x0  }
0x24: {  	s3 =	sadd.s32 $0x88, s3;
	s6 =	simm.s32 @!p1 $0x1082;
	[sflag:s4] =	ssyncset.s32 $0xFFFFF086  }
0x25: {  	[simem:s6], [sflag:s4] =	dma.local [hbm:s3], $0xF7A  }
0x26: {  	[smem:$0x3F9C] =	sst s1;
	(tag) =	ssettag s2;
	_ =	strace s9  }
0x27: {  	s1 =	sld [smem:$0x3FAC]  }
0x28: {  	s2 =	sld [smem:$0x3FAD]  }
0x29: {  	s4 =	sld [smem:$0x3FAF]  }
0x2a: {  	p0 =	seq.s32 s5, $0x0;
	s5 =	sld [smem:$0x3FB0]  }
0x2b: {  	s6 =	sld [smem:$0x3FB1]  }
0x2c: {  	s7 =	sld [smem:$0x3FB2]  }
0x2d: {  	s3 =	simm.s32 $0x108;
	s8 =	sld [smem:$0x3FB3]  }
0x2e: {  	s3 =	simm.s32 @!p0 $0x1082;
	s9 =	sld [smem:$0x3FB4]  }
0x2f: {  	lr =	sadd.s32 s0, s3;
	s0 =	sld [smem:$0x3FAB]  }
0x30: {  	s3 =	sld [smem:$0x3FAE]  }
0x31: {  	[smem:$0x3FB7] =	sst s10  }
0x32: {  	s10 =	sld [smem:$0x3FB5];
	_ =	sdelay $0x3  }
0x33: {  	p0 =	seq.s32 s10, $0x1;
	s10 =	sld [smem:$0x3FB7];
	_ =	sdelay $0x3  }
0x34: {  	[smem:$0x3FB7] =	sst s10  }
0x35: {  	s10 =	sld [smem:$0x3FB6];
	_ =	sdelay $0x3  }
0x36: {  	p1 =	seq.s32 s10, $0x1;
	s10 =	sld [smem:$0x3FB7];
	_ =	sdelay $0x3  }
0x37: {  	[smem:$0x3FB7] =	sst s10  }
0x38: {  	s10 =	sld [smem:$0x3FB8]  }
0x39: {  	_ = 	snop;
	(pc) =	sbr.ind lr, $3  }
0x3a: {  	_ = 	snop  }
0x3b: {  	_ = 	snop  }
0x3c: {  	p2 =	seq.s32 s10, $0x1;
	s10 =	sld [smem:$0x3FB7]  }
0x3d: {  	_ =	shalt  }
0x3e: {  	_ =	shalt  }
0x3f: {  	_ =	shalt  }
0x40: {  	_ =	shalt  }
0x41: {  	_ =	shalt  }
0x42: {  	_ =	shalt  }
0x43: {  	_ =	shalt  }
0x44: {  	_ =	shalt  }
0x45: {  	_ =	shalt  }
0x46: {  	_ =	shalt  }
0x47: {  	_ =	shalt  }
0x48: {  	_ =	shalt  }
0x49: {  	_ =	shalt  }
0x4a: {  	_ =	shalt  }
0x4b: {  	_ =	shalt  }
0x4c: {  	_ =	shalt  }
0x4d: {  	_ =	shalt  }
0x4e: {  	_ =	shalt  }
0x4f: {  	_ =	shalt  }
0x50: {  	_ =	shalt  }
0x51: {  	_ =	shalt  }
0x52: {  	_ =	shalt  }
0x53: {  	_ =	shalt  }
0x54: {  	_ =	shalt  }
0x55: {  	_ =	shalt  }
0x56: {  	_ =	shalt  }
0x57: {  	_ =	shalt  }
0x58: {  	_ =	shalt  }
0x59: {  	_ =	shalt  }
0x5a: {  	_ =	shalt  }
0x5b: {  	_ =	shalt  }
0x5c: {  	_ =	shalt  }
0x5d: {  	_ =	shalt  }
0x5e: {  	_ =	shalt  }
0x5f: {  	_ =	shalt  }
0x60: {  	_ =	shalt  }
0x61: {  	_ =	shalt  }
0x62: {  	_ =	shalt  }
0x63: {  	_ =	shalt  }
0x64: {  	_ =	shalt  }
0x65: {  	_ =	shalt  }
0x66: {  	_ =	shalt  }
0x67: {  	_ =	shalt  }
0x68: {  	_ =	shalt  }
0x69: {  	_ =	shalt  }
0x6a: {  	_ =	shalt  }
0x6b: {  	_ =	shalt  }
0x6c: {  	_ =	shalt  }
0x6d: {  	_ =	shalt  }
0x6e: {  	_ =	shalt  }
0x6f: {  	_ =	shalt  }
0x70: {  	_ =	shalt  }
0x71: {  	_ =	shalt  }
0x72: {  	_ =	shalt  }
0x73: {  	_ =	shalt  }
0x74: {  	_ =	shalt  }
0x75: {  	_ =	shalt  }
0x76: {  	_ =	shalt  }
0x77: {  	_ =	shalt  }
0x78: {  	_ =	shalt  }
0x79: {  	_ =	shalt  }
0x7a: {  	_ =	shalt  }
0x7b: {  	_ =	shalt  }
0x7c: {  	_ =	shalt  }
0x7d: {  	_ =	shalt  }
0x7e: {  	_ =	shalt  }
0x7f: {  	_ =	shalt  }
0x80: {  	_ =	shalt  }
0x81: {  	_ =	shalt  }
0x82: {  	_ =	shalt  }
0x83: {  	_ =	shalt  }
0x84: {  	_ =	shalt  }
0x85: {  	_ =	shalt  }
0x86: {  	_ =	shalt  }
0x87: {  	_ =	shalt  }
.Lfunc_end0:
.L_simem_size_0:
called_computation_lowered:
.L_overlay_start_0:
0x88: {  	s2 =	sld [smem:$0x3FD9]  }
0x89: {  	s3 =	sld [smem:$0x3FFE];
	_ =	sdelay $0x1  }
0x8a: {  	s1 =	srdreg.scid  }
0x8b: {  	s0 =	sand.u32 $0x1, s1  }
0x8c: {  	s15 =	sshll.u32 s0, $0xA;
	s2 =	sadd.s32 s3, s2  }
0x8d: {  	s2 =	sadd.s32 s2, s15  }
0x8e: {  	[smem:$0x3FC3] =	sst s2  }
0x8f: {  	_ = 	snop  }
0x90: {  	s2 =	sld [smem:$0x3FD0];
	_ =	sdelay $0x1  }
0x91: {  	s16 =	sld [smem:$0x3FC6]  }
0x92: {  	s5 =	simm.s32 $0xA;
	s6 =	simm.s32 $0x10;
	s4 =	sld [smem:$0x3FC5]  }
0x93: {  	[smem:s6], [sflag:s5] =	dma.local [hbm:s2], $0x1  }
0x94: {  	_ =	swait.eq [sflag:s5], $0x1  }
0x95: {  	[sflag:s5] =	ssyncset.done $0x0  }
0x96: {  	[sflag:s5] =	ssyncadd.s32 $0xFFFFFFFF  }
0x97: {  	s17 =	sld [smem:$0x11];
	(tm) =	ssettm $0x1  }
0x98: {  	s18 =	sld [smem:$0x3FFB];
	_ =	sdelay $0x3  }
0x99: {  	_ =	strace s18  }
0x9a: {  	s5 =	sld [smem:$0x3FFC];
	_ =	sdelay $0x3  }
0x9b: {  	_ =	strace s5  }
0x9c: {  	s5 =	sld [smem:$0x3FFD];
	_ =	sdelay $0x3  }
0x9d: {  	_ =	strace s5  }
0x9e: {  	_ =	strace $0x8FFFFFFF  }
0x9f: {  	s19 =	sld [smem:$0x3FDB];
	_ =	sdelay $0x1  }
0xa0: {  	s20 =	simm.s32 $_scs_section_size  }
0xa1: {  	s7 =	simm.s32 $_size__tile_overlayer_lowered;
	s8 =	simm.s32 $_tile_overlayer_lowered  }
0xa2: {  	s23 =	simm.s32 $0x1BFF;
	s22 =	sshll.u32 s8, $0x1;
	s5 =	sadd.s32 s20, s19  }
0xa3: {  	s9 =	simm.s32 $0x0;
	s21 =	sshll.u32 s7, $0x1;
	s7 =	sadd.s32 s22, s5  }
0xa4: {  	[timem:s9], [sflag:s23] =	dma.local [hbm:s7], s21  }
0xa5: {  	_ =	swait.ge [sflag:s23], s21  }
0xa6: {  	s6 =	ssub.s32 $0x0, s21;
	[sflag:s23] =	ssyncset.done $0x0  }
0xa7: {  	[sflag:s23] =	ssyncadd.s32 s6;
	_ =	sdelay $0x1  }
0xa8: {  	s24 =	simm.s32 $0x1B8B  }
0xa9: {  	_ =	swait.ge [sflag:s24], $0x1  }
0xaa: {  	[sflag:s24] =	ssyncset.done $0x0  }
0xab: {  	s25 =	simm.s32 $0x1B8E;
	[sflag:s24] =	ssyncadd.s32 $0xFFFFFFFF  }
0xac: {  	s26 =	simm.s32 $execute0_lowered;
	[smem:$0x3FD2] =	sst s25  }
0xad: {  	s6 =	sshll.u32 s26, $0x1;
	_ =	strace $0x80000046;
	[dreg:$0x1] =	wrdreg $0xFFFFFFFF  }
0xae: {  	s28 =	simm.s32 $_size_execute0_lowered;
	s5 =	sadd.s32 s5, s6;
	[dreg:$0x0] =	wrdreg $0x0  }
0xaf: {  	s6 =	sshll.u32 s28, $0x1;
	[dreg:$0x2] =	wrdreg s5  }
0xb0: {  	[dreg:$0x3] =	wrdreg s6  }
0xb1: {  	[dreg:$0x4] =	wrdreg $0xC0  }
0xb2: {  	_ =	task [dreg:s9], $0x5FFFF  }
0xb3: {  	[dreg:$0x1] =	wrdreg $0xFFFFFFFF  }
0xb4: {  	[dreg:$0x0] =	wrdreg $0x60  }
0xb5: {  	[dreg:$0x2] =	wrdreg s16  }
0xb6: {  	[dreg:$0x3] =	wrdreg s4  }
0xb7: {  	[dreg:$0x4] =	wrdreg s17  }
0xb8: {  	[dreg:$0x5] =	wrdreg $0x9  }
0xb9: {  	_ =	task.clear_ibuf [dreg:s9], $0x6FFFF;
	_ =	strace $0x90000046  }
0xba: {  	s29 =	simm.s32 $0x9;
	_ =	strace $0x80000048  }
0xbb: {  	_ =	swait.ge [sflag:s29], $0x1  }
0xbc: {  	[sflag:s29] =	ssyncadd.s32 $0xFFFFFFFF  }
0xbd: {  	_ =	strace $0x90000048  }
0xbe: {  	_ =	sfence  }
0xbf: {  	s30 =	sld [smem:$0x0];
	_ =	sdelay $0x2  }
0xc0: {  	s31 =	sshll.u32 s1, $0xD;
	s1 =	sshrl.u32 s1, $0x2  }
0xc1: {  	s3 =	sand.u32 $0x4000, s31;
	s1 =	sadd.s32 s1, s30  }
0xc2: {  	s0 =	sor.u32 s3, s0;
	s1 =	sshll.u32 s1, $0x11  }
0xc3: {  	s0 =	sor.u32 s1, s0  }
0xc4: {  	s0 =	sadd.s32 $0x8F2B, s0  }
0xc5: {  	[sflag:s0] =	ssyncadd.remote.s32 $0x1  }
0xc6: {  	_ =	sfence.sel $0xFFFF  }
0xc7: {  	[dreg:$0x0] =	wrdreg $0xFFFFFFFF;
	(pc) =	sbr.abs _section_cstart, $3  }
0xc8: {  	[dreg:$0x1] =	wrdreg $0xFFFFFFFF  }
0xc9: {  	_ =	task.clear_ibuf [dreg:s9], $0x2FFFF;
	_ =	strace $0x9FFFFFFF  }
0xca: {  	(tm) =	ssettm $0x7FFFFFFF  }
0xcb: {  	_ =	shalt  }
tec
execute0_lowered:
.L_overlay_start_1:
0x0: {  	(tag) =	ssettag $0x1  }
0x1: {  	s0 =	rddreg [dreg:$0x0]  }
0x2: {  	s1 =	srdreg.scid;
	s2 =	rddreg [dreg:$0x1]  }
0x3: {  	s3 =	rddreg [dreg:$0x2];
	s4 =	stileid.u32;
	s1 =	sand.u32 $0x1, s1  }
0x4: {  	s9 =	simm.s32 $0x1;
	p2 =	seq.s32 s4, $0x0;
	s6 =	sshll.u32 s1, $0x6  }
0x5: {  	v3 =	vlaneseq.u32;
	p0 =	sgt.s32 s4, $0x1;
	p3 =	seq.s32 s4, $0x3;
	s7 =	sor.u32 $0x30, s6  }
.Ltmp0:
0x6: {  	vm0 =	vmmov $0xffff;
	s30 =	sor.u32 $0x20, s6;
	s31 =	sor.u32 $0x10, s6;
	v7 =	vor.u32 s6, v3;
	(pc) =	sbr.rel .LBB2_1-.Ltmp0, $4  }
0x7: {  	s5 =	ssub.s32 $0x2, s1;
	s1 =	rddreg [dreg:$0x3];
	_ =	strace $0x80000047;
	v0 =	vor.u32 s7, v3;
	v2 =	vor.u32 s30, v3;
	v5 =	vor.u32 s31, v3  }
0x8: {  	p1 =	seq.s32 @!p2 s4, $0x1;
	s8 =	sshrl.u32 s5, $0x1;
	s6 =	simm.s32 $0x0;
	v1 =	vshrl.u32 v0, $0x3;
	v4 =	vshrl.u32 v2, $0x3;
	v6 =	vshrl.u32 v5, $0x3  }
0x9: {  	p1 =	por p2, p1;
	s5 =	ssub.s32 s5, s8;
	s7 =	simm.s32 $0x800;
	v3 =	vand.u32 $0x7D, v4;
	v4 =	vand.u32 $0x7B, v6;
	v6 =	vshrl.u32 v7, $0x3  }
0xa: {  	s8 =	simm.s32 $0x2;
	s5 =	smax.u32 s5, $0x1;
	v5 =	vpsel p2, v7, v5;
	v1 =	vand.u32 $0x7F, v1;
	v4 =	vpsel p2, v6, v4;
	p2 =	seq.s32 s4, $0x2  }
.LBB2_2:
.Ltmp1:
0xb: {  	(pc) =	sbr.rel @!p1 .LBB2_7-.Ltmp1, $2  }
0xc: {  	_ =	sdelay $0x2  }
0xd: {  	v6 =	vmov v4;
	v7 =	vmov v5  }
.LBB2_6:
0xe: {  	_ =	sdelay $0x3  }
0xf: {  	v6 =	vld.idx.msk [tilespmem:v6+s7+$0x0], $0xffff;
	_ =	sdelay $0x3  }
0x10: {  	v8 =	vshll.u32 v7, $0xB  }
0x11: {  	v6 =	vadd.s32 v8, v6  }
0x12: {  	[tilespmem:s6], [sflag:$0x1] =	stream.indirect_vreg.gather [hbm4b:s0+s6], $0x80, v7, vm0, $0xb8;
	[tilespmem:$0x880] =	vst v63  }
0x13: {  	_ =	swait.ge [sflag:s9], $0x800  }
0x14: {  	[sflag:s9] =	ssyncset.done $0x0  }
0x15: {  	[sflag:s9] =	ssyncadd.s32 $0xFFFFF800  }
0x16: {  	[hbm4b:s3+s6] =	stream.indirect_vreg.scatter [tilespmem:s6], [sflag:$0x1], $0x80, v6, vm0, $0xb8;
	[tilespmem:$0x880] =	vst v63  }
0x17: {  	_ =	swait.ge [sflag:s9], $0x800  }
0x18: {  	[sflag:s9] =	ssyncset.done $0x0  }
0x19: {  	[sflag:s9] =	ssyncadd.s32 $0xFFFFF800  }
.LBB2_7:
0x1a: {  	s5 =	sadd.s32 $0xFFFFFFFF, s5  }
0x1b: {  	p4 =	sne.s32 s5, $0x0  }
.Ltmp2:
0x1c: {  	_ = 	snop;
	(pc) =	sbr.rel @!p4 .LBB2_8-.Ltmp2, $1  }
0x1d: {  	_ =	sdelay $0x3  }
.LBB2_1:
.Ltmp3:
0x1e: {  	[bflag:$0x0] =	sbarrier.arrive $0xFFFF;
	(pc) =	sbr.rel @!p0 .LBB2_2-.Ltmp3, $4  }
0x1f: {  	[tilespmem:s7], [sflag:$0x2] =	stream.linear.gather [hbm4b:s2+s6], $0x80, $0x38;
	[tilespmem:$0x880] =	vst v63  }
0x20: {  	_ =	swait.ge [sflag:s8], $0x80  }
0x21: {  	[sflag:s8] =	ssyncset.done $0x0  }
0x22: {  	[sflag:s8] =	ssyncadd.s32 $0xFFFFFF80  }
.Ltmp4:
0x23: {  	(pc) =	sbr.rel @p2 .LBB2_6-.Ltmp4, $2  }
0x24: {  	_ =	sdelay $0x2  }
0x25: {  	v6 =	vmov v3;
	v7 =	vmov v2  }
.Ltmp5:
0x26: {  	(pc) =	sbr.rel @!p3 .LBB2_7-.Ltmp5, $1  }
0x27: {  	_ =	sdelay $0x3  }
.Ltmp6:
0x28: {  	(pc) =	sbr.rel .LBB2_6-.Ltmp6, $2  }
0x29: {  	_ =	sdelay $0x2  }
0x2a: {  	v6 =	vmov v1;
	v7 =	vmov v0  }
.LBB2_8:
0x2b: {  	_ =	sfence.sel $0x180000  }
0x2c: {  	[bflag:$0x0] =	sbarrier.arrive $0xFFFF  }
0x2d: {  	p0 =	sne.s32 s4, $0x0;
	_ =	strace $0x90000047  }
0x2e: {  	s0 =	sadd.s32 @!p0 $0x100000, s1;
	[bflag:$0x2] =	sbarrier.arrive $0xFFFF  }
0x2f: {  	[sflag:s0] =	ssyncadd.tile.s32 @!p0 $0x1;
	_ =	shalt  }
.Lfunc_end2:
_tile_overlayer_lowered:
.L_overlay_start_2:
0x30: {  	(tag) =	ssettag $0x2  }
0x31: {  	s0 =	rddreg [dreg:$0x0];
	s2 =	stileid.u32  }
0x32: {  	s1 =	rddreg [dreg:$0x1];
	p0 =	sne.s32 s2, $0x0  }
0x33: {  	s3 =	rddreg [dreg:$0x2];
	[bflag:$0x3] =	sbarrier.arrive $0xFFFF;
	s2 =	simm.s32 @!p0 $0x1C02  }
0x34: {  	[timem:s3], [sflag:s2] =	dma.local @!p0 [hbm:s0], s1  }
0x35: {  	s0 =	simm.s32 @!p0 $0x2  }
0x36: {  	_ =	swait.ge @!p0 [sflag:s0], s1  }
0x37: {  	s1 =	ssub.s32 @!p0 $0x0, s1;
	[sflag:s0] =	ssyncset.done @!p0 $0x0  }
0x38: {  	[sflag:s0] =	ssyncadd.s32 @!p0 s1  }
0x39: {  	[bflag:$0x3] =	sbarrier.arrive $0xFFFF  }
0x3a: {  	_ =	shalt  }

</sc_bundles>
